<compile_context>
chip_gen: v7x
topology: tpu7x:2x2x1
jax: 0.10.2.dev20260603
libtpu: 0.0.44.dev20260713+nightly
codegen_flags: <defaults>
</compile_context>

<pallas_src>
import functools

import jax
import jax.numpy as jnp
from jax import lax
from jax.experimental import pallas as pl
from jax.experimental.pallas import tpu as pltpu
from jax.experimental.pallas import tpu_sc as plsc

B = 1024
L = 200
N = B * L
D = 128
NT = 3
HD = 384

_INFO = plsc.get_sparse_core_info()
NC = _INFO.num_cores
NS = _INFO.num_subcores
NW = NC * NS
ROWS_PER_W = N // NW
CH = 128
NCH = ROWS_PER_W // CH


def _sc_gather_concat(t0, t1, t2, idx):
    mesh = plsc.VectorSubcoreMesh(core_axis_name="c", subcore_axis_name="s")

    @functools.partial(
        pl.kernel,
        mesh=mesh,
        out_type=jax.ShapeDtypeStruct((N, NT * D), jnp.float32),
        scratch_types=[
            pltpu.VMEM((NCH, CH), jnp.int32),
            pltpu.VMEM((CH, D), jnp.float32),
            pltpu.SemaphoreType.DMA,
        ],
    )
    def gather_kernel(t0_h, t1_h, t2_h, idx_h, out_h, idx_v, buf, sem):
        wid = lax.axis_index("s") * NC + lax.axis_index("c")
        base = wid * ROWS_PER_W
        for t, tbl in enumerate((t0_h, t1_h, t2_h)):
            pltpu.sync_copy(idx_h.at[t, wid], idx_v)

            def chunk_body(j, _, tbl=tbl, t=t):
                pltpu.async_copy(tbl.at[idx_v.at[j]], buf, sem).wait()
                pltpu.sync_copy(
                    buf,
                    out_h.at[pl.ds(base + j * CH, CH), pl.ds(t * D, D)],
                )
                return 0

            lax.fori_loop(0, NCH, chunk_body, 0)

    return gather_kernel(t0, t1, t2, idx)


BN = 1024
NB = N // BN


def _tc_project(g, inter_col, e_inter, w, bias):

    def body(g_ref, it_ref, ei_ref, w_ref, b_ref, out_ref):
        gb = g_ref[...].astype(jnp.bfloat16)
        wb = w_ref[0:NT * D, :].astype(jnp.bfloat16)
        acc = jnp.dot(gb, wb, preferred_element_type=jnp.float32)
        p = jnp.dot(ei_ref[...], w_ref[NT * D:, :],
                    preferred_element_type=jnp.float32) + b_ref[...]
        iv = it_ref[...]
        acc = acc + jnp.where(iv == 0, 1.0, 0.0) * p[0:1, :]
        acc = acc + jnp.where(iv == 1, 1.0, 0.0) * p[1:2, :]
        acc = acc + jnp.where(iv == 2, 1.0, 0.0) * p[2:3, :]
        out_ref[...] = acc

    return pl.pallas_call(
        body,
        grid=(NB,),
        in_specs=[
            pl.BlockSpec((BN, NT * D), lambda i: (i, 0)),
            pl.BlockSpec((BN, 1), lambda i: (i, 0)),
            pl.BlockSpec((3, D), lambda i: (0, 0)),
            pl.BlockSpec((4 * D, HD), lambda i: (0, 0)),
            pl.BlockSpec((1, HD), lambda i: (0, 0)),
        ],
        out_specs=pl.BlockSpec((BN, HD), lambda i: (i, 0)),
        out_shape=jax.ShapeDtypeStruct((N, HD), jnp.float32),
        compiler_params=pltpu.CompilerParams(
            dimension_semantics=("arbitrary",),
        ),
    )(g, inter_col, e_inter, w, bias)


def kernel(cat0, cat1, cat2, Interaction, E_cat0, E_cat1, E_cat2, E_inter, W, b):
    idx = jnp.stack(
        [cat0.reshape(-1), cat1.reshape(-1), cat2.reshape(-1)]
    ).astype(jnp.int32).reshape(NT, NW, NCH, CH)
    g = _sc_gather_concat(E_cat0, E_cat1, E_cat2, idx)
    inter_col = Interaction.reshape(N, 1).astype(jnp.int32)
    x = _tc_project(g, inter_col, E_inter, W, b.reshape(1, HD))
    return (x.reshape(B, L, HD), cat0.shape[0])

# --- scband reference (transcript-rebuilt; emitter-appended) ---
"""Pipeline reference for scband-model-base-1786706395570 (READ-ONLY COPY).

The authoritative reference and input builder live on the scoring server;
editing this copy changes nothing except your own understanding.
"""

import jax, jax.numpy as jnp
import numpy as np

B = 1024
L = 200
VOCAB = 100000
INTD = 128  # hidden_dim // 3 = 384 // 3
HD = 384
N_EMB = 4  # 3 cate cols + Interaction


def setup_inputs(seed: int = 0) -> dict:
    key = jax.random.key(seed)
    ks = jax.random.split(key, 12)
    inp = {}
    inp['cat0'] = jax.random.randint(ks[0], (B, L), 0, VOCAB, dtype=jnp.int64 if jax.config.jax_enable_x64 else jnp.int32)
    inp['cat1'] = jax.random.randint(ks[1], (B, L), 0, VOCAB, dtype=jnp.int64 if jax.config.jax_enable_x64 else jnp.int32)
    inp['cat2'] = jax.random.randint(ks[2], (B, L), 0, VOCAB, dtype=jnp.int64 if jax.config.jax_enable_x64 else jnp.int32)
    inp['Interaction'] = jax.random.randint(ks[3], (B, L), 0, 3, dtype=jnp.int64 if jax.config.jax_enable_x64 else jnp.int32)
    # learned params: embedding tables (vocab+1 rows like nn.Embedding(n_cate+1, intd))
    inp['E_cat0'] = jax.random.normal(ks[4], (VOCAB + 1, INTD), dtype=jnp.float32) * 0.02
    inp['E_cat1'] = jax.random.normal(ks[5], (VOCAB + 1, INTD), dtype=jnp.float32) * 0.02
    inp['E_cat2'] = jax.random.normal(ks[6], (VOCAB + 1, INTD), dtype=jnp.float32) * 0.02
    inp['E_inter'] = jax.random.normal(ks[7], (3, INTD), dtype=jnp.float32) * 0.02
    # comb_proj: Linear(intd * 4, hd)
    inp['W'] = jax.random.normal(ks[8], (INTD * N_EMB, HD), dtype=jnp.float32) * (1.0 / np.sqrt(INTD * N_EMB))
    inp['b'] = jnp.zeros((HD,), dtype=jnp.float32)
    return inp


def reference(cat0, cat1, cat2, Interaction, E_cat0, E_cat1, E_cat2, E_inter, W, b):
    # forward of ModelBase: per-column embedding lookup, concat on feature dim, linear projection
    embeddings = [
        jnp.take(E_cat0, cat0, axis=0),
        jnp.take(E_cat1, cat1, axis=0),
        jnp.take(E_cat2, cat2, axis=0),
        jnp.take(E_inter, Interaction, axis=0),
    ]
    embed = jnp.concatenate(embeddings, axis=2)  # [B, L, intd*4]
    X = embed @ W + b  # comb_proj -> [B, L, hd]
    batch_size = cat0.shape[0]
    return (X, batch_size)

if __name__ == "__main__":
    import jax
    _d = setup_inputs()
    print(jax.jit(kernel)(*tuple(_d.values())))

</pallas_src>

<mosaic_0001>
#map = affine_map<(d0, d1) -> (0, 0)>
#map1 = affine_map<(d0, d1) -> (0, 0, 0, 0)>
module attributes {stable_mosaic.version = 14 : i64} {
  func.func @gather_kernel(%arg0: i32, %arg1: i32, %arg2: memref<100001x128xf32, #tpu.memory_space<hbm>>, %arg3: memref<100001x128xf32, #tpu.memory_space<hbm>>, %arg4: memref<100001x128xf32, #tpu.memory_space<hbm>>, %arg5: memref<3x32x50x128xi32, #tpu.memory_space<hbm>>, %arg6: memref<204800x384xf32, #tpu.memory_space<hbm>>, %arg7: memref<50x128xi32, #tpu.memory_space<vmem>>, %arg8: memref<128x128xf32, #tpu.memory_space<vmem>>, %arg9: memref<!tpu.dma_semaphore, #tpu.memory_space<semaphore_mem>>) attributes {dimension_semantics = [#tpu.dimension_semantics<core_parallel>, #tpu.dimension_semantics<subcore_parallel>], iteration_bounds = array<i64: 2, 16>, scalar_prefetch = 0 : i64, scratch_operands = 3 : i64, tpu.core_type = #tpu.core_type<sc_vector_subcore>, window_params = [{transform_indices = #map}, {transform_indices = #map}, {transform_indices = #map}, {transform_indices = #map1}, {transform_indices = #map}]} {
    %mul3A = arith.constant 2 : i32
    %mul3A_0 = arith.muli %arg1, %mul3A : i32
    %add3A = arith.addi %mul3A_0, %arg0 : i32
    %mul3A_1 = arith.constant 6400 : i32
    %mul3A_2 = arith.muli %add3A, %mul3A_1 : i32
    %run_scoped3A = arith.constant 0 : i32
    "tpu.region"() ({
      %run_scoped3A_25 = tpu.sem_alloc : memref<!tpu.dma_semaphore, #tpu.memory_space<semaphore_mem>>
      %dma_start3A = arith.constant 0 : i32
      %dma_start3A_26 = arith.constant 0 : i32
      %dma_start3A_27 = tpu.memref_slice %arg5[%run_scoped3A, %add3A, %dma_start3A, %dma_start3A_26] : memref<3x32x50x128xi32, #tpu.memory_space<hbm>> -> memref<1x1x50x128xi32, #tpu.memory_space<hbm>>
      %dma_start3A_28 = tpu.memref_squeeze %dma_start3A_27 : memref<1x1x50x128xi32, #tpu.memory_space<hbm>> -> memref<50x128xi32, #tpu.memory_space<hbm>>
      %dma_start3A_29 = arith.constant 0 : i32
      %dma_start3A_30 = arith.constant 0 : i32
      %dma_start3A_31 = tpu.memref_slice %arg5[%run_scoped3A, %add3A, %dma_start3A_29, %dma_start3A_30] : memref<3x32x50x128xi32, #tpu.memory_space<hbm>> -> memref<1x1x50x128xi32, #tpu.memory_space<hbm>>
      %dma_start3A_32 = tpu.memref_squeeze %dma_start3A_31 : memref<1x1x50x128xi32, #tpu.memory_space<hbm>> -> memref<50x128xi32, #tpu.memory_space<hbm>>
      tpu.enqueue_dma source(%dma_start3A_32 : memref<50x128xi32, #tpu.memory_space<hbm>>) target(%arg7 : memref<50x128xi32, #tpu.memory_space<vmem>>) target_semaphore(%run_scoped3A_25 : memref<!tpu.dma_semaphore, #tpu.memory_space<semaphore_mem>>)
      %dma_wait3A = arith.constant 0 : i32
      %dma_wait3A_33 = arith.constant 0 : i32
      %dma_wait3A_34 = tpu.memref_slice %arg5[%run_scoped3A, %add3A, %dma_wait3A, %dma_wait3A_33] : memref<3x32x50x128xi32, #tpu.memory_space<hbm>> -> memref<1x1x50x128xi32, #tpu.memory_space<hbm>>
      %dma_wait3A_35 = tpu.memref_squeeze %dma_wait3A_34 : memref<1x1x50x128xi32, #tpu.memory_space<hbm>> -> memref<50x128xi32, #tpu.memory_space<hbm>>
      %dma_wait3A_36 = arith.constant 0 : i32
      %dma_wait3A_37 = arith.constant 0 : i32
      %dma_wait3A_38 = tpu.memref_slice %arg5[%run_scoped3A, %add3A, %dma_wait3A_36, %dma_wait3A_37] : memref<3x32x50x128xi32, #tpu.memory_space<hbm>> -> memref<1x1x50x128xi32, #tpu.memory_space<hbm>>
      %dma_wait3A_39 = tpu.memref_squeeze %dma_wait3A_38 : memref<1x1x50x128xi32, #tpu.memory_space<hbm>> -> memref<50x128xi32, #tpu.memory_space<hbm>>
      tpu.wait_dma2 semaphore(%run_scoped3A_25 : memref<!tpu.dma_semaphore, #tpu.memory_space<semaphore_mem>>) src(%dma_wait3A_39 : memref<50x128xi32, #tpu.memory_space<hbm>>) dst(%arg7 : memref<50x128xi32, #tpu.memory_space<vmem>>)
      tpu.yield
    }) : () -> ()
    %scan3A = arith.constant 0 : i32
    %scan3A_3 = arith.constant 0 : i32
    %scan3A_4 = arith.constant 50 : i32
    %scan3A_5 = arith.addi %scan3A_3, %scan3A_4 : i32
    %scan3A_6 = arith.constant 1 : i32
    %scan3A_7 = scf.for %scan3A_25 = %scan3A_3 to %scan3A_5 step %scan3A_6 iter_args(%scan3A_26 = %scan3A) -> (i32)  : i32 {
      %dma_start3A = arith.constant 0 : i32
      %dma_start3A_27 = tpu.memref_slice %arg7[%scan3A_25, %dma_start3A] : memref<50x128xi32, #tpu.memory_space<vmem>> -> memref<1x128xi32, #tpu.memory_space<vmem>>
      %dma_start3A_28 = tpu.memref_squeeze %dma_start3A_27 : memref<1x128xi32, #tpu.memory_space<vmem>> -> memref<128xi32, #tpu.memory_space<vmem>>
      %dma_start3A_29 = arith.constant 0 : i32
      %dma_start3A_30 = arith.constant 0 : i32
      %dma_start3A_31 = tpu.memref_slice %arg2[%dma_start3A_29, %dma_start3A_30] : memref<100001x128xf32, #tpu.memory_space<hbm>> -> memref<100001x128xf32, #tpu.memory_space<hbm>>
      tpu.enqueue_indirect_dma source(%dma_start3A_31 : memref<100001x128xf32, #tpu.memory_space<hbm>>) target(%arg8 : memref<128x128xf32, #tpu.memory_space<vmem>>) offsets(%dma_start3A_28 : memref<128xi32, #tpu.memory_space<vmem>>) semaphore(%arg9 : memref<!tpu.dma_semaphore, #tpu.memory_space<semaphore_mem>>)
      %dma_wait3A = arith.constant 0 : i32
      %dma_wait3A_32 = tpu.memref_slice %arg7[%scan3A_25, %dma_wait3A] : memref<50x128xi32, #tpu.memory_space<vmem>> -> memref<1x128xi32, #tpu.memory_space<vmem>>
      %dma_wait3A_33 = tpu.memref_squeeze %dma_wait3A_32 : memref<1x128xi32, #tpu.memory_space<vmem>> -> memref<128xi32, #tpu.memory_space<vmem>>
      %dma_wait3A_34 = arith.constant 0 : i32
      %dma_wait3A_35 = arith.constant 0 : i32
      %dma_wait3A_36 = tpu.memref_slice %arg2[%dma_wait3A_34, %dma_wait3A_35] : memref<100001x128xf32, #tpu.memory_space<hbm>> -> memref<100001x128xf32, #tpu.memory_space<hbm>>
      tpu.wait_indirect_dma semaphore(%arg9 : memref<!tpu.dma_semaphore, #tpu.memory_space<semaphore_mem>>) src(%dma_wait3A_36 : memref<100001x128xf32, #tpu.memory_space<hbm>>) dst(%arg8 : memref<128x128xf32, #tpu.memory_space<vmem>>)
      %mul3A_37 = arith.constant 128 : i32
      %mul3A_38 = arith.muli %scan3A_25, %mul3A_37 : i32
      %add3A_39 = arith.addi %mul3A_2, %mul3A_38 : i32
      "tpu.region"() ({
        %run_scoped3A_41 = tpu.sem_alloc : memref<!tpu.dma_semaphore, #tpu.memory_space<semaphore_mem>>
        %dma_start3A_42 = arith.constant 0 : i32
        %dma_start3A_43 = tpu.memref_slice %arg6[%add3A_39, %dma_start3A_42] : memref<204800x384xf32, #tpu.memory_space<hbm>> -> memref<128x128xf32, #tpu.memory_space<hbm>>
        %dma_start3A_44 = arith.constant 0 : i32
        %dma_start3A_45 = tpu.memref_slice %arg6[%add3A_39, %dma_start3A_44] : memref<204800x384xf32, #tpu.memory_space<hbm>> -> memref<128x128xf32, #tpu.memory_space<hbm>>
        tpu.enqueue_dma source(%arg8 : memref<128x128xf32, #tpu.memory_space<vmem>>) target(%dma_start3A_45 : memref<128x128xf32, #tpu.memory_space<hbm>>) target_semaphore(%run_scoped3A_41 : memref<!tpu.dma_semaphore, #tpu.memory_space<semaphore_mem>>)
        %dma_wait3A_46 = arith.constant 0 : i32
        %dma_wait3A_47 = tpu.memref_slice %arg6[%add3A_39, %dma_wait3A_46] : memref<204800x384xf32, #tpu.memory_space<hbm>> -> memref<128x128xf32, #tpu.memory_space<hbm>>
        %dma_wait3A_48 = arith.constant 0 : i32
        %dma_wait3A_49 = tpu.memref_slice %arg6[%add3A_39, %dma_wait3A_48] : memref<204800x384xf32, #tpu.memory_space<hbm>> -> memref<128x128xf32, #tpu.memory_space<hbm>>
        tpu.wait_dma2 semaphore(%run_scoped3A_41 : memref<!tpu.dma_semaphore, #tpu.memory_space<semaphore_mem>>) src(%arg8 : memref<128x128xf32, #tpu.memory_space<vmem>>) dst(%dma_wait3A_49 : memref<128x128xf32, #tpu.memory_space<hbm>>)
        tpu.yield
      }) : () -> ()
      %scan3A_40 = arith.constant 0 : i32
      scf.yield %scan3A_40 : i32
    }
    %scan3A_8 = arith.constant 50 : i32
    %run_scoped3A_9 = arith.constant 1 : i32
    "tpu.region"() ({
      %run_scoped3A_25 = tpu.sem_alloc : memref<!tpu.dma_semaphore, #tpu.memory_space<semaphore_mem>>
      %dma_start3A = arith.constant 0 : i32
      %dma_start3A_26 = arith.constant 0 : i32
      %dma_start3A_27 = tpu.memref_slice %arg5[%run_scoped3A_9, %add3A, %dma_start3A, %dma_start3A_26] : memref<3x32x50x128xi32, #tpu.memory_space<hbm>> -> memref<1x1x50x128xi32, #tpu.memory_space<hbm>>
      %dma_start3A_28 = tpu.memref_squeeze %dma_start3A_27 : memref<1x1x50x128xi32, #tpu.memory_space<hbm>> -> memref<50x128xi32, #tpu.memory_space<hbm>>
      %dma_start3A_29 = arith.constant 0 : i32
      %dma_start3A_30 = arith.constant 0 : i32
      %dma_start3A_31 = tpu.memref_slice %arg5[%run_scoped3A_9, %add3A, %dma_start3A_29, %dma_start3A_30] : memref<3x32x50x128xi32, #tpu.memory_space<hbm>> -> memref<1x1x50x128xi32, #tpu.memory_space<hbm>>
      %dma_start3A_32 = tpu.memref_squeeze %dma_start3A_31 : memref<1x1x50x128xi32, #tpu.memory_space<hbm>> -> memref<50x128xi32, #tpu.memory_space<hbm>>
      tpu.enqueue_dma source(%dma_start3A_32 : memref<50x128xi32, #tpu.memory_space<hbm>>) target(%arg7 : memref<50x128xi32, #tpu.memory_space<vmem>>) target_semaphore(%run_scoped3A_25 : memref<!tpu.dma_semaphore, #tpu.memory_space<semaphore_mem>>)
      %dma_wait3A = arith.constant 0 : i32
      %dma_wait3A_33 = arith.constant 0 : i32
      %dma_wait3A_34 = tpu.memref_slice %arg5[%run_scoped3A_9, %add3A, %dma_wait3A, %dma_wait3A_33] : memref<3x32x50x128xi32, #tpu.memory_space<hbm>> -> memref<1x1x50x128xi32, #tpu.memory_space<hbm>>
      %dma_wait3A_35 = tpu.memref_squeeze %dma_wait3A_34 : memref<1x1x50x128xi32, #tpu.memory_space<hbm>> -> memref<50x128xi32, #tpu.memory_space<hbm>>
      %dma_wait3A_36 = arith.constant 0 : i32
      %dma_wait3A_37 = arith.constant 0 : i32
      %dma_wait3A_38 = tpu.memref_slice %arg5[%run_scoped3A_9, %add3A, %dma_wait3A_36, %dma_wait3A_37] : memref<3x32x50x128xi32, #tpu.memory_space<hbm>> -> memref<1x1x50x128xi32, #tpu.memory_space<hbm>>
      %dma_wait3A_39 = tpu.memref_squeeze %dma_wait3A_38 : memref<1x1x50x128xi32, #tpu.memory_space<hbm>> -> memref<50x128xi32, #tpu.memory_space<hbm>>
      tpu.wait_dma2 semaphore(%run_scoped3A_25 : memref<!tpu.dma_semaphore, #tpu.memory_space<semaphore_mem>>) src(%dma_wait3A_39 : memref<50x128xi32, #tpu.memory_space<hbm>>) dst(%arg7 : memref<50x128xi32, #tpu.memory_space<vmem>>)
      tpu.yield
    }) : () -> ()
    %scan3A_10 = arith.constant 0 : i32
    %scan3A_11 = arith.constant 0 : i32
    %scan3A_12 = arith.constant 50 : i32
    %scan3A_13 = arith.addi %scan3A_11, %scan3A_12 : i32
    %scan3A_14 = arith.constant 1 : i32
    %scan3A_15 = scf.for %scan3A_25 = %scan3A_11 to %scan3A_13 step %scan3A_14 iter_args(%scan3A_26 = %scan3A_10) -> (i32)  : i32 {
      %dma_start3A = arith.constant 0 : i32
      %dma_start3A_27 = tpu.memref_slice %arg7[%scan3A_25, %dma_start3A] : memref<50x128xi32, #tpu.memory_space<vmem>> -> memref<1x128xi32, #tpu.memory_space<vmem>>
      %dma_start3A_28 = tpu.memref_squeeze %dma_start3A_27 : memref<1x128xi32, #tpu.memory_space<vmem>> -> memref<128xi32, #tpu.memory_space<vmem>>
      %dma_start3A_29 = arith.constant 0 : i32
      %dma_start3A_30 = arith.constant 0 : i32
      %dma_start3A_31 = tpu.memref_slice %arg3[%dma_start3A_29, %dma_start3A_30] : memref<100001x128xf32, #tpu.memory_space<hbm>> -> memref<100001x128xf32, #tpu.memory_space<hbm>>
      tpu.enqueue_indirect_dma source(%dma_start3A_31 : memref<100001x128xf32, #tpu.memory_space<hbm>>) target(%arg8 : memref<128x128xf32, #tpu.memory_space<vmem>>) offsets(%dma_start3A_28 : memref<128xi32, #tpu.memory_space<vmem>>) semaphore(%arg9 : memref<!tpu.dma_semaphore, #tpu.memory_space<semaphore_mem>>)
      %dma_wait3A = arith.constant 0 : i32
      %dma_wait3A_32 = tpu.memref_slice %arg7[%scan3A_25, %dma_wait3A] : memref<50x128xi32, #tpu.memory_space<vmem>> -> memref<1x128xi32, #tpu.memory_space<vmem>>
      %dma_wait3A_33 = tpu.memref_squeeze %dma_wait3A_32 : memref<1x128xi32, #tpu.memory_space<vmem>> -> memref<128xi32, #tpu.memory_space<vmem>>
      %dma_wait3A_34 = arith.constant 0 : i32
      %dma_wait3A_35 = arith.constant 0 : i32
      %dma_wait3A_36 = tpu.memref_slice %arg3[%dma_wait3A_34, %dma_wait3A_35] : memref<100001x128xf32, #tpu.memory_space<hbm>> -> memref<100001x128xf32, #tpu.memory_space<hbm>>
      tpu.wait_indirect_dma semaphore(%arg9 : memref<!tpu.dma_semaphore, #tpu.memory_space<semaphore_mem>>) src(%dma_wait3A_36 : memref<100001x128xf32, #tpu.memory_space<hbm>>) dst(%arg8 : memref<128x128xf32, #tpu.memory_space<vmem>>)
      %mul3A_37 = arith.constant 128 : i32
      %mul3A_38 = arith.muli %scan3A_25, %mul3A_37 : i32
      %add3A_39 = arith.addi %mul3A_2, %mul3A_38 : i32
      "tpu.region"() ({
        %run_scoped3A_41 = tpu.sem_alloc : memref<!tpu.dma_semaphore, #tpu.memory_space<semaphore_mem>>
        %dma_start3A_42 = arith.constant 128 : i32
        %dma_start3A_43 = tpu.memref_slice %arg6[%add3A_39, %dma_start3A_42] : memref<204800x384xf32, #tpu.memory_space<hbm>> -> memref<128x128xf32, #tpu.memory_space<hbm>>
        %dma_start3A_44 = arith.constant 128 : i32
        %dma_start3A_45 = tpu.memref_slice %arg6[%add3A_39, %dma_start3A_44] : memref<204800x384xf32, #tpu.memory_space<hbm>> -> memref<128x128xf32, #tpu.memory_space<hbm>>
        tpu.enqueue_dma source(%arg8 : memref<128x128xf32, #tpu.memory_space<vmem>>) target(%dma_start3A_45 : memref<128x128xf32, #tpu.memory_space<hbm>>) target_semaphore(%run_scoped3A_41 : memref<!tpu.dma_semaphore, #tpu.memory_space<semaphore_mem>>)
        %dma_wait3A_46 = arith.constant 128 : i32
        %dma_wait3A_47 = tpu.memref_slice %arg6[%add3A_39, %dma_wait3A_46] : memref<204800x384xf32, #tpu.memory_space<hbm>> -> memref<128x128xf32, #tpu.memory_space<hbm>>
        %dma_wait3A_48 = arith.constant 128 : i32
        %dma_wait3A_49 = tpu.memref_slice %arg6[%add3A_39, %dma_wait3A_48] : memref<204800x384xf32, #tpu.memory_space<hbm>> -> memref<128x128xf32, #tpu.memory_space<hbm>>
        tpu.wait_dma2 semaphore(%run_scoped3A_41 : memref<!tpu.dma_semaphore, #tpu.memory_space<semaphore_mem>>) src(%arg8 : memref<128x128xf32, #tpu.memory_space<vmem>>) dst(%dma_wait3A_49 : memref<128x128xf32, #tpu.memory_space<hbm>>)
        tpu.yield
      }) : () -> ()
      %scan3A_40 = arith.constant 0 : i32
      scf.yield %scan3A_40 : i32
    }
    %scan3A_16 = arith.constant 50 : i32
    %run_scoped3A_17 = arith.constant 2 : i32
    "tpu.region"() ({
      %run_scoped3A_25 = tpu.sem_alloc : memref<!tpu.dma_semaphore, #tpu.memory_space<semaphore_mem>>
      %dma_start3A = arith.constant 0 : i32
      %dma_start3A_26 = arith.constant 0 : i32
      %dma_start3A_27 = tpu.memref_slice %arg5[%run_scoped3A_17, %add3A, %dma_start3A, %dma_start3A_26] : memref<3x32x50x128xi32, #tpu.memory_space<hbm>> -> memref<1x1x50x128xi32, #tpu.memory_space<hbm>>
      %dma_start3A_28 = tpu.memref_squeeze %dma_start3A_27 : memref<1x1x50x128xi32, #tpu.memory_space<hbm>> -> memref<50x128xi32, #tpu.memory_space<hbm>>
      %dma_start3A_29 = arith.constant 0 : i32
      %dma_start3A_30 = arith.constant 0 : i32
      %dma_start3A_31 = tpu.memref_slice %arg5[%run_scoped3A_17, %add3A, %dma_start3A_29, %dma_start3A_30] : memref<3x32x50x128xi32, #tpu.memory_space<hbm>> -> memref<1x1x50x128xi32, #tpu.memory_space<hbm>>
      %dma_start3A_32 = tpu.memref_squeeze %dma_start3A_31 : memref<1x1x50x128xi32, #tpu.memory_space<hbm>> -> memref<50x128xi32, #tpu.memory_space<hbm>>
      tpu.enqueue_dma source(%dma_start3A_32 : memref<50x128xi32, #tpu.memory_space<hbm>>) target(%arg7 : memref<50x128xi32, #tpu.memory_space<vmem>>) target_semaphore(%run_scoped3A_25 : memref<!tpu.dma_semaphore, #tpu.memory_space<semaphore_mem>>)
      %dma_wait3A = arith.constant 0 : i32
      %dma_wait3A_33 = arith.constant 0 : i32
      %dma_wait3A_34 = tpu.memref_slice %arg5[%run_scoped3A_17, %add3A, %dma_wait3A, %dma_wait3A_33] : memref<3x32x50x128xi32, #tpu.memory_space<hbm>> -> memref<1x1x50x128xi32, #tpu.memory_space<hbm>>
      %dma_wait3A_35 = tpu.memref_squeeze %dma_wait3A_34 : memref<1x1x50x128xi32, #tpu.memory_space<hbm>> -> memref<50x128xi32, #tpu.memory_space<hbm>>
      %dma_wait3A_36 = arith.constant 0 : i32
      %dma_wait3A_37 = arith.constant 0 : i32
      %dma_wait3A_38 = tpu.memref_slice %arg5[%run_scoped3A_17, %add3A, %dma_wait3A_36, %dma_wait3A_37] : memref<3x32x50x128xi32, #tpu.memory_space<hbm>> -> memref<1x1x50x128xi32, #tpu.memory_space<hbm>>
      %dma_wait3A_39 = tpu.memref_squeeze %dma_wait3A_38 : memref<1x1x50x128xi32, #tpu.memory_space<hbm>> -> memref<50x128xi32, #tpu.memory_space<hbm>>
      tpu.wait_dma2 semaphore(%run_scoped3A_25 : memref<!tpu.dma_semaphore, #tpu.memory_space<semaphore_mem>>) src(%dma_wait3A_39 : memref<50x128xi32, #tpu.memory_space<hbm>>) dst(%arg7 : memref<50x128xi32, #tpu.memory_space<vmem>>)
      tpu.yield
    }) : () -> ()
    %scan3A_18 = arith.constant 0 : i32
    %scan3A_19 = arith.constant 0 : i32
    %scan3A_20 = arith.constant 50 : i32
    %scan3A_21 = arith.addi %scan3A_19, %scan3A_20 : i32
    %scan3A_22 = arith.constant 1 : i32
    %scan3A_23 = scf.for %scan3A_25 = %scan3A_19 to %scan3A_21 step %scan3A_22 iter_args(%scan3A_26 = %scan3A_18) -> (i32)  : i32 {
      %dma_start3A = arith.constant 0 : i32
      %dma_start3A_27 = tpu.memref_slice %arg7[%scan3A_25, %dma_start3A] : memref<50x128xi32, #tpu.memory_space<vmem>> -> memref<1x128xi32, #tpu.memory_space<vmem>>
      %dma_start3A_28 = tpu.memref_squeeze %dma_start3A_27 : memref<1x128xi32, #tpu.memory_space<vmem>> -> memref<128xi32, #tpu.memory_space<vmem>>
      %dma_start3A_29 = arith.constant 0 : i32
      %dma_start3A_30 = arith.constant 0 : i32
      %dma_start3A_31 = tpu.memref_slice %arg4[%dma_start3A_29, %dma_start3A_30] : memref<100001x128xf32, #tpu.memory_space<hbm>> -> memref<100001x128xf32, #tpu.memory_space<hbm>>
      tpu.enqueue_indirect_dma source(%dma_start3A_31 : memref<100001x128xf32, #tpu.memory_space<hbm>>) target(%arg8 : memref<128x128xf32, #tpu.memory_space<vmem>>) offsets(%dma_start3A_28 : memref<128xi32, #tpu.memory_space<vmem>>) semaphore(%arg9 : memref<!tpu.dma_semaphore, #tpu.memory_space<semaphore_mem>>)
      %dma_wait3A = arith.constant 0 : i32
      %dma_wait3A_32 = tpu.memref_slice %arg7[%scan3A_25, %dma_wait3A] : memref<50x128xi32, #tpu.memory_space<vmem>> -> memref<1x128xi32, #tpu.memory_space<vmem>>
      %dma_wait3A_33 = tpu.memref_squeeze %dma_wait3A_32 : memref<1x128xi32, #tpu.memory_space<vmem>> -> memref<128xi32, #tpu.memory_space<vmem>>
      %dma_wait3A_34 = arith.constant 0 : i32
      %dma_wait3A_35 = arith.constant 0 : i32
      %dma_wait3A_36 = tpu.memref_slice %arg4[%dma_wait3A_34, %dma_wait3A_35] : memref<100001x128xf32, #tpu.memory_space<hbm>> -> memref<100001x128xf32, #tpu.memory_space<hbm>>
      tpu.wait_indirect_dma semaphore(%arg9 : memref<!tpu.dma_semaphore, #tpu.memory_space<semaphore_mem>>) src(%dma_wait3A_36 : memref<100001x128xf32, #tpu.memory_space<hbm>>) dst(%arg8 : memref<128x128xf32, #tpu.memory_space<vmem>>)
      %mul3A_37 = arith.constant 128 : i32
      %mul3A_38 = arith.muli %scan3A_25, %mul3A_37 : i32
      %add3A_39 = arith.addi %mul3A_2, %mul3A_38 : i32
      "tpu.region"() ({
        %run_scoped3A_41 = tpu.sem_alloc : memref<!tpu.dma_semaphore, #tpu.memory_space<semaphore_mem>>
        %dma_start3A_42 = arith.constant 256 : i32
        %dma_start3A_43 = tpu.memref_slice %arg6[%add3A_39, %dma_start3A_42] : memref<204800x384xf32, #tpu.memory_space<hbm>> -> memref<128x128xf32, #tpu.memory_space<hbm>>
        %dma_start3A_44 = arith.constant 256 : i32
        %dma_start3A_45 = tpu.memref_slice %arg6[%add3A_39, %dma_start3A_44] : memref<204800x384xf32, #tpu.memory_space<hbm>> -> memref<128x128xf32, #tpu.memory_space<hbm>>
        tpu.enqueue_dma source(%arg8 : memref<128x128xf32, #tpu.memory_space<vmem>>) target(%dma_start3A_45 : memref<128x128xf32, #tpu.memory_space<hbm>>) target_semaphore(%run_scoped3A_41 : memref<!tpu.dma_semaphore, #tpu.memory_space<semaphore_mem>>)
        %dma_wait3A_46 = arith.constant 256 : i32
        %dma_wait3A_47 = tpu.memref_slice %arg6[%add3A_39, %dma_wait3A_46] : memref<204800x384xf32, #tpu.memory_space<hbm>> -> memref<128x128xf32, #tpu.memory_space<hbm>>
        %dma_wait3A_48 = arith.constant 256 : i32
        %dma_wait3A_49 = tpu.memref_slice %arg6[%add3A_39, %dma_wait3A_48] : memref<204800x384xf32, #tpu.memory_space<hbm>> -> memref<128x128xf32, #tpu.memory_space<hbm>>
        tpu.wait_dma2 semaphore(%run_scoped3A_41 : memref<!tpu.dma_semaphore, #tpu.memory_space<semaphore_mem>>) src(%arg8 : memref<128x128xf32, #tpu.memory_space<vmem>>) dst(%dma_wait3A_49 : memref<128x128xf32, #tpu.memory_space<hbm>>)
        tpu.yield
      }) : () -> ()
      %scan3A_40 = arith.constant 0 : i32
      scf.yield %scan3A_40 : i32
    }
    %scan3A_24 = arith.constant 50 : i32
    return
  }
}

module attributes {stable_mosaic.version = 14 : i64} {
  func.func @body(%arg0: i32, %arg1: memref<1024x384xf32, #tpu.memory_space<vmem>>, %arg2: memref<1024x1xi32, #tpu.memory_space<vmem>>, %arg3: memref<3x128xf32, #tpu.memory_space<vmem>>, %arg4: memref<512x384xf32, #tpu.memory_space<vmem>>, %arg5: memref<1x384xf32, #tpu.memory_space<vmem>>, %arg6: memref<1024x384xf32, #tpu.memory_space<vmem>>) attributes {dimension_semantics = [#tpu.dimension_semantics<arbitrary>], iteration_bounds = array<i64: 200>, scalar_prefetch = 0 : i64, scratch_operands = 0 : i64, tpu.core_type = #tpu.core_type<tc>, window_params = [{transform_indices = @transform_0, window_bounds = array<i64: 1024, 384>}, {transform_indices = @transform_1, window_bounds = array<i64: 1024, 1>}, {pipeline_mode = #tpu.pipeline_mode<synchronous>, transform_indices = @transform_2, window_bounds = array<i64: 3, 128>}, {pipeline_mode = #tpu.pipeline_mode<synchronous>, transform_indices = @transform_3, window_bounds = array<i64: 512, 384>}, {pipeline_mode = #tpu.pipeline_mode<synchronous>, transform_indices = @transform_4, window_bounds = array<i64: 1, 384>}, {transform_indices = @transform_5, window_bounds = array<i64: 1024, 384>}]} {
    %get3A = arith.constant 0 : index
    %get3A_0 = arith.constant 0 : index
    %get3A_1 = vector.load %arg1[%get3A, %get3A_0] : memref<1024x384xf32, #tpu.memory_space<vmem>>, vector<1024x384xf32>
    %convert_element_type3A = arith.truncf %get3A_1 : vector<1024x384xf32> to vector<1024x384xbf16>
    %get3A_2 = arith.constant 0 : index
    %get3A_3 = arith.constant 0 : index
    %get3A_4 = vector.load %arg4[%get3A_2, %get3A_3] : memref<512x384xf32, #tpu.memory_space<vmem>>, vector<384x384xf32>
    %convert_element_type3A_5 = arith.truncf %get3A_4 : vector<384x384xf32> to vector<384x384xbf16>
    %dot_general3A = arith.constant dense<0.000000e+00> : vector<1024x384xf32>
    %dot_general3A_6 = tpu.matmul %convert_element_type3A, %convert_element_type3A_5, %dot_general3A {dimension_numbers = #tpu.dot_dimension_numbers<[1], [0], [0], [1], [0, 0, 1, 1], [], []>, transpose_lhs_hint = false} : vector<1024x384xbf16>, vector<384x384xbf16>, vector<1024x384xf32> -> vector<1024x384xf32>
    %get3A_7 = arith.constant 0 : index
    %get3A_8 = arith.constant 0 : index
    %get3A_9 = vector.load %arg3[%get3A_7, %get3A_8] : memref<3x128xf32, #tpu.memory_space<vmem>>, vector<3x128xf32>
    %get3A_10 = arith.constant 384 : index
    %get3A_11 = arith.constant 0 : index
    %get3A_12 = vector.load %arg4[%get3A_10, %get3A_11] : memref<512x384xf32, #tpu.memory_space<vmem>>, vector<128x384xf32>
    %dot_general3A_13 = arith.constant dense<0.000000e+00> : vector<3x384xf32>
    %dot_general3A_14 = tpu.matmul %get3A_9, %get3A_12, %dot_general3A_13 {dimension_numbers = #tpu.dot_dimension_numbers<[1], [0], [0], [1], [0, 0, 1, 1], [], []>, transpose_lhs_hint = false} : vector<3x128xf32>, vector<128x384xf32>, vector<3x384xf32> -> vector<3x384xf32>
    %get3A_15 = arith.constant 0 : index
    %get3A_16 = arith.constant 0 : index
    %get3A_17 = vector.load %arg5[%get3A_15, %get3A_16] : memref<1x384xf32, #tpu.memory_space<vmem>>, vector<1x384xf32>
    %add3A = vector.broadcast %get3A_17 : vector<1x384xf32> to vector<3x384xf32>
    %add3A_18 = arith.addf %dot_general3A_14, %add3A : vector<3x384xf32>
    %get3A_19 = arith.constant 0 : index
    %get3A_20 = arith.constant 0 : index
    %get3A_21 = vector.load %arg2[%get3A_19, %get3A_20] : memref<1024x1xi32, #tpu.memory_space<vmem>>, vector<1024x1xi32>
    %eq3A = arith.constant 0 : i32
    %eq3A_22 = vector.broadcast %eq3A : i32 to vector<1024x1xi32>
    %eq3A_23 = arith.cmpi eq, %get3A_21, %eq3A_22 : vector<1024x1xi32>
    %jit3A = arith.constant 1.000000e+00 : f32
    %jit3A_24 = arith.constant 0.000000e+00 : f32
    %broadcast_in_dim3A = vector.broadcast %jit3A : f32 to vector<1024x1xf32>
    %broadcast_in_dim3A_25 = vector.broadcast %jit3A_24 : f32 to vector<1024x1xf32>
    %select_n3A = arith.select %eq3A_23, %broadcast_in_dim3A, %broadcast_in_dim3A_25 : vector<1024x1xi1>, vector<1024x1xf32>
    %slice3A = vector.extract_strided_slice %add3A_18 {offsets = [0, 0], sizes = [1, 384], strides = [1, 1]} : vector<3x384xf32> to vector<1x384xf32>
    %mul3A = vector.broadcast %select_n3A : vector<1024x1xf32> to vector<1024x384xf32>
    %mul3A_26 = vector.broadcast %slice3A : vector<1x384xf32> to vector<1024x384xf32>
    %mul3A_27 = arith.mulf %mul3A, %mul3A_26 : vector<1024x384xf32>
    %add3A_28 = arith.addf %dot_general3A_6, %mul3A_27 : vector<1024x384xf32>
    %eq3A_29 = arith.constant 1 : i32
    %eq3A_30 = vector.broadcast %eq3A_29 : i32 to vector<1024x1xi32>
    %eq3A_31 = arith.cmpi eq, %get3A_21, %eq3A_30 : vector<1024x1xi32>
    %jit3A_32 = arith.constant 1.000000e+00 : f32
    %jit3A_33 = arith.constant 0.000000e+00 : f32
    %broadcast_in_dim3A_34 = vector.broadcast %jit3A_32 : f32 to vector<1024x1xf32>
    %broadcast_in_dim3A_35 = vector.broadcast %jit3A_33 : f32 to vector<1024x1xf32>
    %select_n3A_36 = arith.select %eq3A_31, %broadcast_in_dim3A_34, %broadcast_in_dim3A_35 : vector<1024x1xi1>, vector<1024x1xf32>
    %slice3A_37 = vector.extract_strided_slice %add3A_18 {offsets = [1, 0], sizes = [1, 384], strides = [1, 1]} : vector<3x384xf32> to vector<1x384xf32>
    %mul3A_38 = vector.broadcast %select_n3A_36 : vector<1024x1xf32> to vector<1024x384xf32>
    %mul3A_39 = vector.broadcast %slice3A_37 : vector<1x384xf32> to vector<1024x384xf32>
    %mul3A_40 = arith.mulf %mul3A_38, %mul3A_39 : vector<1024x384xf32>
    %add3A_41 = arith.addf %add3A_28, %mul3A_40 : vector<1024x384xf32>
    %eq3A_42 = arith.constant 2 : i32
    %eq3A_43 = vector.broadcast %eq3A_42 : i32 to vector<1024x1xi32>
    %eq3A_44 = arith.cmpi eq, %get3A_21, %eq3A_43 : vector<1024x1xi32>
    %jit3A_45 = arith.constant 1.000000e+00 : f32
    %jit3A_46 = arith.constant 0.000000e+00 : f32
    %broadcast_in_dim3A_47 = vector.broadcast %jit3A_45 : f32 to vector<1024x1xf32>
    %broadcast_in_dim3A_48 = vector.broadcast %jit3A_46 : f32 to vector<1024x1xf32>
    %select_n3A_49 = arith.select %eq3A_44, %broadcast_in_dim3A_47, %broadcast_in_dim3A_48 : vector<1024x1xi1>, vector<1024x1xf32>
    %slice3A_50 = vector.extract_strided_slice %add3A_18 {offsets = [2, 0], sizes = [1, 384], strides = [1, 1]} : vector<3x384xf32> to vector<1x384xf32>
    %mul3A_51 = vector.broadcast %select_n3A_49 : vector<1024x1xf32> to vector<1024x384xf32>
    %mul3A_52 = vector.broadcast %slice3A_50 : vector<1x384xf32> to vector<1024x384xf32>
    %mul3A_53 = arith.mulf %mul3A_51, %mul3A_52 : vector<1024x384xf32>
    %add3A_54 = arith.addf %add3A_41, %mul3A_53 : vector<1024x384xf32>
    %swap3A = arith.constant 0 : index
    %swap3A_55 = arith.constant 0 : index
    %swap3A_56 = vector.load %arg6[%swap3A, %swap3A_55] : memref<1024x384xf32, #tpu.memory_space<vmem>>, vector<1024x384xf32>
    tpu.vector_store %arg6[%swap3A, %swap3A_55], %add3A_54 {strides = array<i32>} : memref<1024x384xf32, #tpu.memory_space<vmem>>, vector<1024x384xf32>,
    return
  }
  func.func @transform_0(%arg0: i32) -> (i32, i32) {
    %c0_i32 = arith.constant 0 : i32
    %c0_i32_0 = arith.constant 0 : i32
    return %arg0, %c0_i32 : i32, i32
  }
  func.func @transform_1(%arg0: i32) -> (i32, i32) {
    %c0_i32 = arith.constant 0 : i32
    %c0_i32_0 = arith.constant 0 : i32
    return %arg0, %c0_i32 : i32, i32
  }
  func.func @transform_2(%arg0: i32) -> (i32, i32) {
    %c0_i32 = arith.constant 0 : i32
    %c0_i32_0 = arith.constant 0 : i32
    %c0_i32_1 = arith.constant 0 : i32
    return %c0_i32, %c0_i32_0 : i32, i32
  }
  func.func @transform_3(%arg0: i32) -> (i32, i32) {
    %c0_i32 = arith.constant 0 : i32
    %c0_i32_0 = arith.constant 0 : i32
    %c0_i32_1 = arith.constant 0 : i32
    return %c0_i32, %c0_i32_0 : i32, i32
  }
  func.func @transform_4(%arg0: i32) -> (i32, i32) {
    %c0_i32 = arith.constant 0 : i32
    %c0_i32_0 = arith.constant 0 : i32
    %c0_i32_1 = arith.constant 0 : i32
    return %c0_i32, %c0_i32_0 : i32, i32
  }
  func.func @transform_5(%arg0: i32) -> (i32, i32) {
    %c0_i32 = arith.constant 0 : i32
    %c0_i32_0 = arith.constant 0 : i32
    return %arg0, %c0_i32 : i32, i32
  }
}

</mosaic_0001>

<sc_bundles>
// kernel: kernel.4.cloned.1.call-start
scs
__scs_entry_jumppad:
0x0: {  	(pc) =	sbr.rel $0x88, $3  }
0x1: {  	(tag) =	ssettag $0x0;
	lr =	simm.s32 $0x1  }
0x2: {  	[smem:$0x3F97] =	sst lr;
	_ =	strace $0xD0000000  }
0x3: {  	_ = 	snop  }
0x4: {  	_ = 	snop  }
0x5: {  	_ = 	snop  }
0x6: {  	_ = 	snop  }
0x7: {  	_ = 	snop  }
__scs_overlays_trampoline_lowered:
0x8: {  	[smem:$0x3FA6] =	sst s0  }
0x9: {  	[smem:$0x3FA7] =	sst s1  }
0xa: {  	[smem:$0x3FA8] =	sst s2  }
0xb: {  	[smem:$0x3FA9] =	sst s3  }
0xc: {  	[smem:$0x3FAA] =	sst s4  }
0xd: {  	[smem:$0x3FAB] =	sst s5  }
0xe: {  	[smem:$0x3FAC] =	sst s6  }
0xf: {  	[smem:$0x3FAD] =	sst s7  }
0x10: {  	[smem:$0x3FAE] =	sst s8  }
0x11: {  	[smem:$0x3FAF] =	sst s9;
	s0 =	simm.s32 @!p0 $0x0  }
0x12: {  	s1 =	sld [smem:$0x3F95];
	s0 =	simm.s32 @p0 $0x1  }
0x13: {  	[smem:$0x3FB0] =	sst s0;
	s0 =	simm.s32 @!p1 $0x0  }
0x14: {  	s2 =	sld [smem:$0x3F94];
	s0 =	simm.s32 @p1 $0x1  }
0x15: {  	[smem:$0x3FB1] =	sst s0;
	s0 =	simm.s32 @!p2 $0x0  }
0x16: {  	s3 =	sld [smem:$0x3FDB];
	s0 =	simm.s32 @p2 $0x1  }
0x17: {  	s4 =	simm.s32 $0x1BF5;
	[smem:$0x3FB3] =	sst s0  }
0x18: {  	s0 =	sld [smem:$0x3F96];
	_ =	swait.ge [sflag:s4], $0x0  }
0x19: {  	s7 =	sld [smem:$0x3F97]  }
0x1a: {  	s8 =	sadd.s32 $0xFFFFE003, lr  }
0x1b: {  	s9 =	sadd.s32 $0xFFFFFEF7, lr;
	s5 =	simm.s32 $0xFFFFFFFF;
	p2 =	slt.u32 s8, $0xFFFFF086  }
0x1c: {  	p1 =	slt.u32 s9, $0xF7A;
	s5 =	simm.s32 @!p2 $0x0  }
0x1d: {  	s5 =	simm.s32 @p1 $0x1;
	p0 =	seq.s32 s7, s2  }
0x1e: {  	s7 =	smul.u32 @!p0 $0xF7A, s2;
	p2 =	seq.s32 @!p0 s5, $0x0  }
0x1f: {  	s9 =	smul.u32 $0xF7A, s1;
	s8 =	simm.s32 @!p0 $0x1BF5;
	p2 =	por !p2, p0  }
0x20: {  	[sflag:s8] =	ssyncset.s32 @!p0 $0xFFFFF086;
	s6 =	sadd.s32 @!p0 s3, s7;
	s7 =	simm.s32 @!p0 $0x108  }
0x21: {  	s3 =	sadd.s32 s3, s9;
	s6 =	sadd.s32 @!p0 $0x88, s6;
	s7 =	simm.s32 @p2 $0x1082  }
0x22: {  	[simem:s7], [sflag:s8] =	dma.local @!p0 [hbm:s6], $0xF7A  }
0x23: {  	s9 =	sor.u32 $0xD0000000, s2;
	s6 =	simm.s32 $0x108;
	_ =	swait.ge @!p0 [sflag:s8], $0x0  }
0x24: {  	s3 =	sadd.s32 $0x88, s3;
	s6 =	simm.s32 @!p1 $0x1082;
	[sflag:s4] =	ssyncset.s32 $0xFFFFF086  }
0x25: {  	[simem:s6], [sflag:s4] =	dma.local [hbm:s3], $0xF7A  }
0x26: {  	[smem:$0x3F97] =	sst s1;
	(tag) =	ssettag s2;
	_ =	strace s9  }
0x27: {  	s1 =	sld [smem:$0x3FA7]  }
0x28: {  	s2 =	sld [smem:$0x3FA8]  }
0x29: {  	s4 =	sld [smem:$0x3FAA]  }
0x2a: {  	p0 =	seq.s32 s5, $0x0;
	s5 =	sld [smem:$0x3FAB]  }
0x2b: {  	s6 =	sld [smem:$0x3FAC]  }
0x2c: {  	s7 =	sld [smem:$0x3FAD]  }
0x2d: {  	s3 =	simm.s32 $0x108;
	s8 =	sld [smem:$0x3FAE]  }
0x2e: {  	s3 =	simm.s32 @!p0 $0x1082;
	s9 =	sld [smem:$0x3FAF]  }
0x2f: {  	lr =	sadd.s32 s0, s3;
	s0 =	sld [smem:$0x3FA6]  }
0x30: {  	s3 =	sld [smem:$0x3FA9]  }
0x31: {  	[smem:$0x3FB2] =	sst s10  }
0x32: {  	s10 =	sld [smem:$0x3FB0];
	_ =	sdelay $0x3  }
0x33: {  	p0 =	seq.s32 s10, $0x1;
	s10 =	sld [smem:$0x3FB2];
	_ =	sdelay $0x3  }
0x34: {  	[smem:$0x3FB2] =	sst s10  }
0x35: {  	s10 =	sld [smem:$0x3FB1];
	_ =	sdelay $0x3  }
0x36: {  	p1 =	seq.s32 s10, $0x1;
	s10 =	sld [smem:$0x3FB2];
	_ =	sdelay $0x3  }
0x37: {  	[smem:$0x3FB2] =	sst s10  }
0x38: {  	s10 =	sld [smem:$0x3FB3]  }
0x39: {  	_ = 	snop;
	(pc) =	sbr.ind lr, $3  }
0x3a: {  	_ = 	snop  }
0x3b: {  	_ = 	snop  }
0x3c: {  	p2 =	seq.s32 s10, $0x1;
	s10 =	sld [smem:$0x3FB2]  }
0x3d: {  	_ =	shalt  }
0x3e: {  	_ =	shalt  }
0x3f: {  	_ =	shalt  }
0x40: {  	_ =	shalt  }
0x41: {  	_ =	shalt  }
0x42: {  	_ =	shalt  }
0x43: {  	_ =	shalt  }
0x44: {  	_ =	shalt  }
0x45: {  	_ =	shalt  }
0x46: {  	_ =	shalt  }
0x47: {  	_ =	shalt  }
0x48: {  	_ =	shalt  }
0x49: {  	_ =	shalt  }
0x4a: {  	_ =	shalt  }
0x4b: {  	_ =	shalt  }
0x4c: {  	_ =	shalt  }
0x4d: {  	_ =	shalt  }
0x4e: {  	_ =	shalt  }
0x4f: {  	_ =	shalt  }
0x50: {  	_ =	shalt  }
0x51: {  	_ =	shalt  }
0x52: {  	_ =	shalt  }
0x53: {  	_ =	shalt  }
0x54: {  	_ =	shalt  }
0x55: {  	_ =	shalt  }
0x56: {  	_ =	shalt  }
0x57: {  	_ =	shalt  }
0x58: {  	_ =	shalt  }
0x59: {  	_ =	shalt  }
0x5a: {  	_ =	shalt  }
0x5b: {  	_ =	shalt  }
0x5c: {  	_ =	shalt  }
0x5d: {  	_ =	shalt  }
0x5e: {  	_ =	shalt  }
0x5f: {  	_ =	shalt  }
0x60: {  	_ =	shalt  }
0x61: {  	_ =	shalt  }
0x62: {  	_ =	shalt  }
0x63: {  	_ =	shalt  }
0x64: {  	_ =	shalt  }
0x65: {  	_ =	shalt  }
0x66: {  	_ =	shalt  }
0x67: {  	_ =	shalt  }
0x68: {  	_ =	shalt  }
0x69: {  	_ =	shalt  }
0x6a: {  	_ =	shalt  }
0x6b: {  	_ =	shalt  }
0x6c: {  	_ =	shalt  }
0x6d: {  	_ =	shalt  }
0x6e: {  	_ =	shalt  }
0x6f: {  	_ =	shalt  }
0x70: {  	_ =	shalt  }
0x71: {  	_ =	shalt  }
0x72: {  	_ =	shalt  }
0x73: {  	_ =	shalt  }
0x74: {  	_ =	shalt  }
0x75: {  	_ =	shalt  }
0x76: {  	_ =	shalt  }
0x77: {  	_ =	shalt  }
0x78: {  	_ =	shalt  }
0x79: {  	_ =	shalt  }
0x7a: {  	_ =	shalt  }
0x7b: {  	_ =	shalt  }
0x7c: {  	_ =	shalt  }
0x7d: {  	_ =	shalt  }
0x7e: {  	_ =	shalt  }
0x7f: {  	_ =	shalt  }
0x80: {  	_ =	shalt  }
0x81: {  	_ =	shalt  }
0x82: {  	_ =	shalt  }
0x83: {  	_ =	shalt  }
0x84: {  	_ =	shalt  }
0x85: {  	_ =	shalt  }
0x86: {  	_ =	shalt  }
0x87: {  	_ =	shalt  }
.Lfunc_end0:
.L_simem_size_0:
called_computation_lowered:
.L_overlay_start_0:
0x88: {  	s2 =	sld [smem:$0x3FD9]  }
0x89: {  	s3 =	sld [smem:$0x3FFE];
	_ =	sdelay $0x1  }
0x8a: {  	s1 =	srdreg.scid  }
0x8b: {  	s0 =	sand.u32 $0x1, s1  }
0x8c: {  	s14 =	sshll.u32 s0, $0xA;
	s2 =	sadd.s32 s3, s2  }
0x8d: {  	s2 =	sadd.s32 s2, s14  }
0x8e: {  	[smem:$0x3FBE] =	sst s2  }
0x8f: {  	_ = 	snop  }
0x90: {  	s2 =	sld [smem:$0x3FD0]  }
0x91: {  	s15 =	sld [smem:$0x3FC5]  }
0x92: {  	s4 =	sld [smem:$0x3FC4]  }
0x93: {  	s6 =	simm.s32 $0xA;
	s7 =	simm.s32 $0x10;
	s5 =	sld [smem:$0x3FC3]  }
0x94: {  	[smem:s7], [sflag:s6] =	dma.local [hbm:s2], $0x1  }
0x95: {  	_ =	swait.eq [sflag:s6], $0x1  }
0x96: {  	[sflag:s6] =	ssyncset.done $0x0  }
0x97: {  	[sflag:s6] =	ssyncadd.s32 $0xFFFFFFFF  }
0x98: {  	s16 =	sld [smem:$0x10];
	(tm) =	ssettm $0x1  }
0x99: {  	s17 =	sld [smem:$0x3FFB];
	_ =	sdelay $0x3  }
0x9a: {  	_ =	strace s17  }
0x9b: {  	s6 =	sld [smem:$0x3FFC];
	_ =	sdelay $0x3  }
0x9c: {  	_ =	strace s6  }
0x9d: {  	s6 =	sld [smem:$0x3FFD];
	_ =	sdelay $0x3  }
0x9e: {  	_ =	strace s6  }
0x9f: {  	_ =	strace $0x8FFFFFFF  }
0xa0: {  	s18 =	sld [smem:$0x3FDB];
	_ =	sdelay $0x1  }
0xa1: {  	s19 =	simm.s32 $_scs_section_size  }
0xa2: {  	s8 =	simm.s32 $_size__tile_overlayer_lowered;
	s9 =	simm.s32 $_tile_overlayer_lowered  }
0xa3: {  	s22 =	simm.s32 $0x1BFF;
	s21 =	sshll.u32 s9, $0x1;
	s6 =	sadd.s32 s19, s18  }
0xa4: {  	s10 =	simm.s32 $0x0;
	s20 =	sshll.u32 s8, $0x1;
	s8 =	sadd.s32 s21, s6  }
0xa5: {  	[timem:s10], [sflag:s22] =	dma.local [hbm:s8], s20  }
0xa6: {  	_ =	swait.ge [sflag:s22], s20  }
0xa7: {  	s7 =	ssub.s32 $0x0, s20;
	[sflag:s22] =	ssyncset.done $0x0  }
0xa8: {  	[sflag:s22] =	ssyncadd.s32 s7;
	_ =	sdelay $0x1  }
0xa9: {  	s23 =	simm.s32 $0x1B8B  }
0xaa: {  	_ =	swait.ge [sflag:s23], $0x1  }
0xab: {  	[sflag:s23] =	ssyncset.done $0x0  }
0xac: {  	s25 =	simm.s32 $0x1B8E;
	s24 =	sld [smem:$0x3FFE];
	[sflag:s23] =	ssyncadd.s32 $0xFFFFFFFF  }
0xad: {  	s26 =	simm.s32 $execute0_lowered;
	[smem:$0x3FD2] =	sst s25  }
0xae: {  	s8 =	sshll.u32 s26, $0x1;
	_ =	strace $0x80000046;
	[dreg:$0x1] =	wrdreg $0xFFFFFFFF  }
0xaf: {  	s28 =	simm.s32 $_size_execute0_lowered;
	s6 =	sadd.s32 s6, s8;
	[dreg:$0x0] =	wrdreg $0x0  }
0xb0: {  	s8 =	sshll.u32 s28, $0x1;
	[dreg:$0x2] =	wrdreg s6  }
0xb1: {  	[dreg:$0x3] =	wrdreg s8  }
0xb2: {  	[dreg:$0x4] =	wrdreg $0xC0  }
0xb3: {  	_ =	task [dreg:s10], $0x5FFFF  }
0xb4: {  	[dreg:$0x1] =	wrdreg $0xFFFFFFFF  }
0xb5: {  	[dreg:$0x0] =	wrdreg $0x60  }
0xb6: {  	[dreg:$0x2] =	wrdreg s15  }
0xb7: {  	[dreg:$0x3] =	wrdreg s4  }
0xb8: {  	[dreg:$0x4] =	wrdreg s5  }
0xb9: {  	[dreg:$0x5] =	wrdreg s16  }
0xba: {  	[dreg:$0x6] =	wrdreg s24  }
0xbb: {  	[dreg:$0x7] =	wrdreg $0x9  }
0xbc: {  	_ =	task.clear_ibuf [dreg:s10], $0x8FFFF;
	_ =	strace $0x90000046  }
0xbd: {  	s29 =	simm.s32 $0x9;
	_ =	strace $0x80000048  }
0xbe: {  	_ =	swait.ge [sflag:s29], $0x1  }
0xbf: {  	[sflag:s29] =	ssyncadd.s32 $0xFFFFFFFF  }
0xc0: {  	_ =	strace $0x90000048  }
0xc1: {  	_ =	sfence  }
0xc2: {  	s30 =	sld [smem:$0x0];
	_ =	sdelay $0x2  }
0xc3: {  	s31 =	sshll.u32 s1, $0xD;
	s1 =	sshrl.u32 s1, $0x2  }
0xc4: {  	s3 =	sand.u32 $0x4000, s31;
	s1 =	sadd.s32 s1, s30  }
0xc5: {  	s0 =	sor.u32 s3, s0;
	s1 =	sshll.u32 s1, $0x11  }
0xc6: {  	s0 =	sor.u32 s1, s0  }
0xc7: {  	s0 =	sadd.s32 $0x8F2B, s0  }
0xc8: {  	[sflag:s0] =	ssyncadd.remote.s32 $0x1  }
0xc9: {  	_ =	sfence.sel $0xFFFF  }
0xca: {  	[dreg:$0x0] =	wrdreg $0xFFFFFFFF;
	(pc) =	sbr.abs _section_cstart, $3  }
0xcb: {  	[dreg:$0x1] =	wrdreg $0xFFFFFFFF  }
0xcc: {  	_ =	task.clear_ibuf [dreg:s10], $0x2FFFF;
	_ =	strace $0x9FFFFFFF  }
0xcd: {  	(tm) =	ssettm $0x7FFFFFFF  }
tec
execute0_lowered:
.L_overlay_start_1:
0x0: {  	(tag) =	ssettag $0x1  }
0x1: {  	s1 =	rddreg [dreg:$0x0]  }
0x2: {  	s2 =	rddreg [dreg:$0x1]  }
0x3: {  	s3 =	rddreg [dreg:$0x2];
	s4 =	srdreg.scid  }
0x4: {  	s0 =	stileid.u32;
	s6 =	rddreg [dreg:$0x3]  }
0x5: {  	s9 =	rddreg [dreg:$0x4];
	s13 =	simm.s32 $0x2;
	s14 =	simm.s32 $0x80  }
0x6: {  	s15 =	simm.s32 $0x1C00;
	s16 =	simm.s32 $0x1;
	s17 =	simm.s32 $0x400  }
0x7: {  	s7 =	sand.u32 $0x1, s4;
	s8 =	smul.u32 $0x3200, s0;
	s5 =	sshll.u32 s0, $0x1  }
0x8: {  	s18 =	simm.s32 $0xC00;
	s10 =	smul.u32 $0x1900, s7;
	s11 =	sor.u32 s7, s5  }
0x9: {  	s19 =	simm.s32 $0x0;
	s4 =	rddreg [dreg:$0x5];
	s29 =	smul.u32 $0x1C00, s11  }
0xa: {  	s5 =	simm.s32 $0x0;
	s7 =	ssub.s32 $0x2, s7;
	s8 =	sadd.s32 s10, s8  }
0xb: {  	[smem:$0x7FF] =	sst s5;
	s8 =	sshrl.u32 s8, $0x3;
	s10 =	sshrl.u32 s29, $0x3  }
0xc: {  	s30 =	sshrl.u32 s7, $0x1;
	s8 =	smul.u32 $0x180, s8;
	s6 =	sadd.s32 s6, s10  }
0xd: {  	_ =	strace $0x80000047;
	s31 =	ssub.s32 s7, s30;
	s7 =	sadd.s32 $0x7000, s6  }
0xe: {  	s12 =	sadd.s32 s8, s9;
	s8 =	sadd.s32 $0xE000, s6;
	s9 =	smax.u32 s31, $0x1  }
0xf: {  	s10 =	sadd.s32 $0xC00, s12;
	s11 =	sadd.s32 $0xC80, s12;
	s12 =	sadd.s32 $0xD00, s12  }
.LBB2_1:
0x10: {  	[tilespmem:s5], [sflag:$0x2] =	stream.linear.gather [hbm4b:s6+s5], $0x1900, $0x38;
	[tilespmem:$0x5C00] =	vst v63  }
0x11: {  	_ =	swait.ge [sflag:s13], $0x1900  }
0x12: {  	[sflag:s13] =	ssyncset.done $0x0  }
0x13: {  	s20 =	simm.s32 $0x0;
	[sflag:s13] =	ssyncadd.s32 $0xFFFFE700  }
0x14: {  	[tilespmem:s15], [sflag:$0x1] =	stream.indirect.gather [hbm4b:s1+s14], $0x80, s20, s14, $0xb8;
	[tilespmem:$0x5C00] =	vst v63  }
0x15: {  	_ =	swait.ge [sflag:s16], $0x4000  }
0x16: {  	[sflag:s16] =	ssyncset.done $0x0  }
0x17: {  	[sflag:s16] =	ssyncadd.s32 $0xFFFFC000  }
0x18: {  	[hbm4b:s10+s17] =	stream.strided.scatter [tilespmem:s15], [sflag:$0x2], $0x4000, s18, s17, $0x38;
	[tilespmem:$0x5C00] =	vst v63  }
0x19: {  	s21 =	simm.s32 $0x200;
	_ =	swait.ge [sflag:s13], $0x4000  }
0x1a: {  	s22 =	simm.s32 $0x400;
	s20 =	sadd.s32 $0x1800, s10;
	[sflag:s13] =	ssyncset.done $0x0  }
.LBB2_2:
0x1b: {  	s23 =	sshra.s32 s21, $0x2  }
0x1c: {  	[sflag:s13] =	ssyncadd.s32 $0xFFFFC000;
	s21 =	smov.u32 s22;
	s24 =	sadd.s32 $0x200, s22  }
0x1d: {  	[tilespmem:s15], [sflag:$0x1] =	stream.indirect.gather [hbm4b:s1+s14], $0x80, s23, s14, $0xb8;
	[tilespmem:$0x5C00] =	vst v63  }
0x1e: {  	p0 =	sne.s32 s22, $0x6200;
	_ =	swait.ge [sflag:s16], $0x4000  }
.Ltmp0:
0x1f: {  	[sflag:s16] =	ssyncset.done $0x0;
	(pc) =	sbr.rel @p0 .LBB2_2-.Ltmp0, $4  }
0x20: {  	[sflag:s16] =	ssyncadd.s32 $0xFFFFC000  }
0x21: {  	[hbm4b:s20+s17] =	stream.strided.scatter [tilespmem:s15], [sflag:$0x2], $0x4000, s18, s17, $0x38;
	[tilespmem:$0x5C00] =	vst v63  }
0x22: {  	_ =	swait.ge [sflag:s13], $0x4000  }
0x23: {  	s22 =	smov.u32 s24;
	s20 =	sadd.s32 $0x1800, s20;
	[sflag:s13] =	ssyncset.done $0x0  }
0x24: {  	s21 =	sshra.s32 s21, $0x2;
	[sflag:s13] =	ssyncadd.s32 $0xFFFFC000  }
0x25: {  	[tilespmem:s15], [sflag:$0x1] =	stream.indirect.gather [hbm4b:s1+s14], $0x80, s21, s14, $0xb8;
	[tilespmem:$0x5C00] =	vst v63  }
0x26: {  	_ =	swait.ge [sflag:s16], $0x4000  }
0x27: {  	[sflag:s16] =	ssyncset.done $0x0  }
0x28: {  	[sflag:s16] =	ssyncadd.s32 $0xFFFFC000  }
0x29: {  	[hbm4b:s20+s17] =	stream.strided.scatter [tilespmem:s15], [sflag:$0x2], $0x4000, s18, s17, $0x38;
	[tilespmem:$0x5C00] =	vst v63  }
0x2a: {  	_ =	swait.ge [sflag:s13], $0x4000  }
0x2b: {  	[sflag:s13] =	ssyncset.done $0x0  }
0x2c: {  	s30 =	simm.s32 $0x0;
	[sflag:s13] =	ssyncadd.s32 $0xFFFFC000  }
0x2d: {  	[tilespmem:s30], [sflag:$0x2] =	stream.linear.gather [hbm4b:s7+s30], $0x1900, $0x38;
	[tilespmem:$0x5C00] =	vst v63  }
0x2e: {  	_ =	swait.ge [sflag:s13], $0x1900  }
0x2f: {  	[sflag:s13] =	ssyncset.done $0x0  }
0x30: {  	s31 =	simm.s32 $0x0;
	[sflag:s13] =	ssyncadd.s32 $0xFFFFE700  }
0x31: {  	[tilespmem:s15], [sflag:$0x1] =	stream.indirect.gather [hbm4b:s2+s14], $0x80, s31, s14, $0xb8;
	[tilespmem:$0x5C00] =	vst v63  }
0x32: {  	_ =	swait.ge [sflag:s16], $0x4000  }
0x33: {  	[sflag:s16] =	ssyncset.done $0x0  }
0x34: {  	[sflag:s16] =	ssyncadd.s32 $0xFFFFC000  }
0x35: {  	[hbm4b:s11+s17] =	stream.strided.scatter [tilespmem:s15], [sflag:$0x2], $0x4000, s18, s17, $0x38;
	[tilespmem:$0x5C00] =	vst v63  }
0x36: {  	s22 =	simm.s32 $0x400;
	_ =	swait.ge [sflag:s13], $0x4000  }
0x37: {  	s21 =	simm.s32 $0x200;
	s20 =	sadd.s32 $0x1800, s11;
	[sflag:s13] =	ssyncset.done $0x0  }
.LBB2_4:
0x38: {  	s23 =	sshra.s32 s21, $0x2  }
0x39: {  	[sflag:s13] =	ssyncadd.s32 $0xFFFFC000;
	s21 =	smov.u32 s22;
	s24 =	sadd.s32 $0x200, s22  }
0x3a: {  	[tilespmem:s15], [sflag:$0x1] =	stream.indirect.gather [hbm4b:s2+s14], $0x80, s23, s14, $0xb8;
	[tilespmem:$0x5C00] =	vst v63  }
0x3b: {  	p0 =	sne.s32 s22, $0x6200;
	_ =	swait.ge [sflag:s16], $0x4000  }
.Ltmp1:
0x3c: {  	[sflag:s16] =	ssyncset.done $0x0;
	(pc) =	sbr.rel @p0 .LBB2_4-.Ltmp1, $4  }
0x3d: {  	[sflag:s16] =	ssyncadd.s32 $0xFFFFC000  }
0x3e: {  	[hbm4b:s20+s17] =	stream.strided.scatter [tilespmem:s15], [sflag:$0x2], $0x4000, s18, s17, $0x38;
	[tilespmem:$0x5C00] =	vst v63  }
0x3f: {  	_ =	swait.ge [sflag:s13], $0x4000  }
0x40: {  	s22 =	smov.u32 s24;
	s20 =	sadd.s32 $0x1800, s20;
	[sflag:s13] =	ssyncset.done $0x0  }
0x41: {  	s21 =	sshra.s32 s21, $0x2;
	[sflag:s13] =	ssyncadd.s32 $0xFFFFC000  }
0x42: {  	[tilespmem:s15], [sflag:$0x1] =	stream.indirect.gather [hbm4b:s2+s14], $0x80, s21, s14, $0xb8;
	[tilespmem:$0x5C00] =	vst v63  }
0x43: {  	_ =	swait.ge [sflag:s16], $0x4000  }
0x44: {  	[sflag:s16] =	ssyncset.done $0x0  }
0x45: {  	[sflag:s16] =	ssyncadd.s32 $0xFFFFC000  }
0x46: {  	[hbm4b:s20+s17] =	stream.strided.scatter [tilespmem:s15], [sflag:$0x2], $0x4000, s18, s17, $0x38;
	[tilespmem:$0x5C00] =	vst v63  }
0x47: {  	_ =	swait.ge [sflag:s13], $0x4000  }
0x48: {  	[sflag:s13] =	ssyncset.done $0x0  }
0x49: {  	s30 =	simm.s32 $0x0;
	[sflag:s13] =	ssyncadd.s32 $0xFFFFC000  }
0x4a: {  	[tilespmem:s30], [sflag:$0x2] =	stream.linear.gather [hbm4b:s8+s30], $0x1900, $0x38;
	[tilespmem:$0x5C00] =	vst v63  }
0x4b: {  	_ =	swait.ge [sflag:s13], $0x1900  }
0x4c: {  	[sflag:s13] =	ssyncset.done $0x0  }
0x4d: {  	s31 =	simm.s32 $0x0;
	[sflag:s13] =	ssyncadd.s32 $0xFFFFE700  }
0x4e: {  	[tilespmem:s15], [sflag:$0x1] =	stream.indirect.gather [hbm4b:s3+s14], $0x80, s31, s14, $0xb8;
	[tilespmem:$0x5C00] =	vst v63  }
0x4f: {  	_ =	swait.ge [sflag:s16], $0x4000  }
0x50: {  	[sflag:s16] =	ssyncset.done $0x0  }
0x51: {  	[sflag:s16] =	ssyncadd.s32 $0xFFFFC000  }
0x52: {  	[hbm4b:s12+s17] =	stream.strided.scatter [tilespmem:s15], [sflag:$0x2], $0x4000, s18, s17, $0x38;
	[tilespmem:$0x5C00] =	vst v63  }
0x53: {  	s22 =	simm.s32 $0x400;
	_ =	swait.ge [sflag:s13], $0x4000  }
0x54: {  	s21 =	simm.s32 $0x200;
	s20 =	sadd.s32 $0x1800, s12;
	[sflag:s13] =	ssyncset.done $0x0  }
.LBB2_6:
0x55: {  	s23 =	sshra.s32 s21, $0x2  }
0x56: {  	[sflag:s13] =	ssyncadd.s32 $0xFFFFC000;
	s21 =	smov.u32 s22;
	s24 =	sadd.s32 $0x200, s22  }
0x57: {  	[tilespmem:s15], [sflag:$0x1] =	stream.indirect.gather [hbm4b:s3+s14], $0x80, s23, s14, $0xb8;
	[tilespmem:$0x5C00] =	vst v63  }
0x58: {  	p0 =	sne.s32 s22, $0x6200;
	_ =	swait.ge [sflag:s16], $0x4000  }
.Ltmp2:
0x59: {  	[sflag:s16] =	ssyncset.done $0x0;
	(pc) =	sbr.rel @p0 .LBB2_6-.Ltmp2, $4  }
0x5a: {  	[sflag:s16] =	ssyncadd.s32 $0xFFFFC000  }
0x5b: {  	[hbm4b:s20+s17] =	stream.strided.scatter [tilespmem:s15], [sflag:$0x2], $0x4000, s18, s17, $0x38;
	[tilespmem:$0x5C00] =	vst v63  }
0x5c: {  	_ =	swait.ge [sflag:s13], $0x4000  }
0x5d: {  	s22 =	smov.u32 s24;
	s20 =	sadd.s32 $0x1800, s20;
	[sflag:s13] =	ssyncset.done $0x0  }
0x5e: {  	s21 =	sshra.s32 s21, $0x2;
	[sflag:s13] =	ssyncadd.s32 $0xFFFFC000  }
0x5f: {  	[tilespmem:s15], [sflag:$0x1] =	stream.indirect.gather [hbm4b:s3+s14], $0x80, s21, s14, $0xb8;
	[tilespmem:$0x5C00] =	vst v63  }
0x60: {  	s19 =	sadd.s32 $0x1, s19;
	_ =	swait.ge [sflag:s16], $0x4000  }
0x61: {  	p0 =	sne.s32 s19, s9;
	[sflag:s16] =	ssyncset.done $0x0  }
.Ltmp3:
0x62: {  	[sflag:s16] =	ssyncadd.s32 $0xFFFFC000;
	(pc) =	sbr.rel @p0 .LBB2_1-.Ltmp3, $4  }
0x63: {  	[hbm4b:s20+s17] =	stream.strided.scatter [tilespmem:s15], [sflag:$0x2], $0x4000, s18, s17, $0x38;
	[tilespmem:$0x5C00] =	vst v63  }
0x64: {  	_ =	swait.ge [sflag:s13], $0x4000  }
0x65: {  	[sflag:s13] =	ssyncset.done $0x0  }
0x66: {  	[sflag:s13] =	ssyncadd.s32 $0xFFFFC000  }
0x67: {  	_ =	sfence.sel $0x180000  }
0x68: {  	[bflag:$0x0] =	sbarrier.arrive $0xFFFF  }
0x69: {  	p0 =	sne.s32 s0, $0x0;
	_ =	strace $0x90000047  }
0x6a: {  	s0 =	sadd.s32 @!p0 $0x100000, s4;
	[bflag:$0x2] =	sbarrier.arrive $0xFFFF  }
0x6b: {  	[sflag:s0] =	ssyncadd.tile.s32 @!p0 $0x1;
	_ =	shalt  }
.Lfunc_end2:
_tile_overlayer_lowered:
.L_overlay_start_2:
0x6c: {  	(tag) =	ssettag $0x2  }
0x6d: {  	s0 =	rddreg [dreg:$0x0];
	s2 =	stileid.u32  }
0x6e: {  	s1 =	rddreg [dreg:$0x1];
	p0 =	sne.s32 s2, $0x0  }
0x6f: {  	s3 =	rddreg [dreg:$0x2];
	[bflag:$0x3] =	sbarrier.arrive $0xFFFF;
	s2 =	simm.s32 @!p0 $0x1C02  }
0x70: {  	[timem:s3], [sflag:s2] =	dma.local @!p0 [hbm:s0], s1  }
0x71: {  	s0 =	simm.s32 @!p0 $0x2  }
0x72: {  	_ =	swait.ge @!p0 [sflag:s0], s1  }
0x73: {  	s1 =	ssub.s32 @!p0 $0x0, s1;
	[sflag:s0] =	ssyncset.done @!p0 $0x0  }
0x74: {  	[sflag:s0] =	ssyncadd.s32 @!p0 s1  }
0x75: {  	[bflag:$0x3] =	sbarrier.arrive $0xFFFF  }
0x76: {  	_ =	shalt  }

</sc_bundles>
